<compile_context>
chip_gen: v7x
topology: tpu7x:2x2x1
jax: 0.10.2.dev20260603
libtpu: 0.0.44.dev20260713+nightly
codegen_flags: <defaults>
</compile_context>

<pallas_src>
import jax
import jax.numpy as jnp
from jax import lax
from jax.experimental import pallas as pl
from jax.experimental.pallas import tpu as pltpu
from jax.experimental.pallas import tpu_sc as plsc

_L = 20
_BATCH = 16384
_NC, _NS, _LANES = 2, 16, 16
_NW = _NC * _NS
_BPW = _BATCH // _NW

_LN2 = 0.6931471805599453
_LOGP = (
    0.010119082927824848,
    -0.052624851367851076,
    0.13076503250423846,
    -0.2228362583280196,
    0.32697310001386687,
    -0.4992065685478449,
    0.9999574870750662,
    5.621959008883515e-07,
)


def _pack_tc_body(xt_ref, idx_ref):
    accs = [None] * 4
    for i in range(_L):
        z = xt_ref[i, :] << (_L - 1 - i)
        k = i & 3
        accs[k] = z if accs[k] is None else accs[k] + z
    acc = (accs[0] + accs[1]) + (accs[2] + accs[3])
    idx_ref[...] = (acc + ((1 << _L) - 1)) >> 1


def _log16(a):
    bits = lax.bitcast_convert_type(a, jnp.int32)
    e = ((bits >> 23) - 127).astype(jnp.float32)
    m = lax.bitcast_convert_type(
        (bits & 0x007FFFFF) | 0x3F800000, jnp.float32)
    t = m - 1.0
    p = jnp.float32(_LOGP[0])
    for c in _LOGP[1:]:
        p = p * t + jnp.float32(c)
    return e * jnp.float32(_LN2) + p


def _ewf_sc_body(idx_hbm, aux_hbm, out_hbm, idxv, av, gsem):
    wid = lax.axis_index("s") * _NC + lax.axis_index("c")
    base = pl.multiple_of(wid * _BPW, _BPW)

    pltpu.sync_copy(idx_hbm.at[pl.ds(base, _BPW)], idxv)
    pltpu.async_copy(aux_hbm.at[idxv], av, gsem).wait()

    def _log_step(v, carry):
        sl = pl.ds(pl.multiple_of(v * _LANES, _LANES), _LANES)
        av[sl] = _log16(av[sl])
        return carry

    lax.fori_loop(0, _BPW // _LANES, _log_step, 0, unroll=4)
    pltpu.sync_copy(av, out_hbm.at[pl.ds(base, _BPW)])


@jax.jit
def _ewf(x, aux):
    xt = jnp.transpose(x)
    idx = pl.pallas_call(
        _pack_tc_body,
        out_shape=jax.ShapeDtypeStruct((_BATCH,), jnp.int32),
    )(xt)

    mesh = plsc.VectorSubcoreMesh(core_axis_name="c", subcore_axis_name="s")
    return pl.kernel(
        _ewf_sc_body,
        out_type=jax.ShapeDtypeStruct((_BATCH,), jnp.float32),
        mesh=mesh,
        scratch_types=[
            pltpu.VMEM((_BPW,), jnp.int32),
            pltpu.VMEM((_BPW,), jnp.float32),
            pltpu.SemaphoreType.DMA,
        ],
    )(idx, aux)


def kernel(x, aux):
    return _ewf(x, aux)

# --- scband reference (transcript-rebuilt; emitter-appended) ---
"""Pipeline reference for scband-ewf-20486994002376 (READ-ONLY COPY).

The authoritative reference and input builder live on the scoring server;
editing this copy changes nothing except your own understanding.
"""

import jax, jax.numpy as jnp
import numpy as np

L = 20
BATCH = 16384

def change_to_int(x, L):
    Aux = jnp.array([2 ** (L - 1 - i) for i in range(L)], dtype=jnp.int32)
    Z = (jnp.mod(1 + x, 3) // 2).astype(jnp.int32)
    return jnp.sum(Aux * Z, axis=-1)

def setup_inputs(seed: int = 0) -> dict:
    key = jax.random.key(seed)
    k1, k2 = jax.random.split(key)
    bits = jax.random.randint(k1, (BATCH, L), 0, 2)
    # original module expects spin configurations in {-1, +1}
    x = (2 * bits - 1).astype(jnp.int32)
    # eig_vec buffer sized per init (2^L entries); positive so log is finite
    aux = jax.random.uniform(k2, (2 ** L,), dtype=jnp.float32, minval=1e-3, maxval=1.0)
    return {"x": x, "aux": aux}

def reference(x, aux):
    # Faithful translation of EWF.__call__:
    # indices = change_to_int(x, L); A = aux[indices]; return log(A)
    indices = change_to_int(x, L)
    A = jnp.take(aux, indices, axis=0)
    return jnp.log(A)

if __name__ == "__main__":
    import jax
    _d = setup_inputs()
    print(jax.jit(kernel)(*tuple(_d.values())))

</pallas_src>

<mosaic_0001>
#map = affine_map<(d0, d1) -> (0)>
module attributes {stable_mosaic.version = 14 : i64} {
  func.func @_ewf_sc_body(%arg0: i32, %arg1: i32, %arg2: memref<16384xi32, #tpu.memory_space<hbm>>, %arg3: memref<1048576xf32, #tpu.memory_space<hbm>>, %arg4: memref<16384xf32, #tpu.memory_space<hbm>>, %arg5: memref<512xi32, #tpu.memory_space<vmem>>, %arg6: memref<512xf32, #tpu.memory_space<vmem>>, %arg7: memref<!tpu.dma_semaphore, #tpu.memory_space<semaphore_mem>>) attributes {dimension_semantics = [#tpu.dimension_semantics<core_parallel>, #tpu.dimension_semantics<subcore_parallel>], iteration_bounds = array<i64: 2, 16>, scalar_prefetch = 0 : i64, scratch_operands = 3 : i64, tpu.core_type = #tpu.core_type<sc_vector_subcore>, window_params = [{transform_indices = #map}, {transform_indices = #map}, {transform_indices = #map}]} {
    %mul3A = arith.constant 2 : i32
    %mul3A_0 = arith.muli %arg1, %mul3A : i32
    %add3A = arith.addi %mul3A_0, %arg0 : i32
    %mul3A_1 = arith.constant 512 : i32
    %mul3A_2 = arith.muli %add3A, %mul3A_1 : i32
    %multiple_of3A = tpu.assume_multiple %mul3A_2, 512 : i32
    "tpu.region"() ({
      %run_scoped3A = tpu.sem_alloc : memref<!tpu.dma_semaphore, #tpu.memory_space<semaphore_mem>>
      %dma_start3A_10 = tpu.memref_slice %arg2[%multiple_of3A] : memref<16384xi32, #tpu.memory_space<hbm>> -> memref<512xi32, #tpu.memory_space<hbm>>
      %dma_start3A_11 = tpu.memref_slice %arg2[%multiple_of3A] : memref<16384xi32, #tpu.memory_space<hbm>> -> memref<512xi32, #tpu.memory_space<hbm>>
      tpu.enqueue_dma source(%dma_start3A_11 : memref<512xi32, #tpu.memory_space<hbm>>) target(%arg5 : memref<512xi32, #tpu.memory_space<vmem>>) target_semaphore(%run_scoped3A : memref<!tpu.dma_semaphore, #tpu.memory_space<semaphore_mem>>)
      %dma_wait3A_12 = tpu.memref_slice %arg2[%multiple_of3A] : memref<16384xi32, #tpu.memory_space<hbm>> -> memref<512xi32, #tpu.memory_space<hbm>>
      %dma_wait3A_13 = tpu.memref_slice %arg2[%multiple_of3A] : memref<16384xi32, #tpu.memory_space<hbm>> -> memref<512xi32, #tpu.memory_space<hbm>>
      tpu.wait_dma2 semaphore(%run_scoped3A : memref<!tpu.dma_semaphore, #tpu.memory_space<semaphore_mem>>) src(%dma_wait3A_13 : memref<512xi32, #tpu.memory_space<hbm>>) dst(%arg5 : memref<512xi32, #tpu.memory_space<vmem>>)
      tpu.yield
    }) : () -> ()
    %dma_start3A = arith.constant 0 : i32
    %dma_start3A_3 = tpu.memref_slice %arg3[%dma_start3A] : memref<1048576xf32, #tpu.memory_space<hbm>> -> memref<1048576xf32, #tpu.memory_space<hbm>>
    tpu.enqueue_indirect_dma source(%dma_start3A_3 : memref<1048576xf32, #tpu.memory_space<hbm>>) target(%arg6 : memref<512xf32, #tpu.memory_space<vmem>>) offsets(%arg5 : memref<512xi32, #tpu.memory_space<vmem>>) semaphore(%arg7 : memref<!tpu.dma_semaphore, #tpu.memory_space<semaphore_mem>>)
    %dma_wait3A = arith.constant 0 : i32
    %dma_wait3A_4 = tpu.memref_slice %arg3[%dma_wait3A] : memref<1048576xf32, #tpu.memory_space<hbm>> -> memref<1048576xf32, #tpu.memory_space<hbm>>
    tpu.wait_indirect_dma semaphore(%arg7 : memref<!tpu.dma_semaphore, #tpu.memory_space<semaphore_mem>>) src(%dma_wait3A_4 : memref<1048576xf32, #tpu.memory_space<hbm>>) dst(%arg6 : memref<512xf32, #tpu.memory_space<vmem>>)
    %scan3A = arith.constant 0 : i32
    %scan3A_5 = arith.constant 0 : i32
    %scan3A_6 = arith.constant 32 : i32
    %scan3A_7 = arith.addi %scan3A_5, %scan3A_6 : i32
    %scan3A_8 = arith.constant 4 : i32
    scf.for %scan3A_10 = %scan3A_5 to %scan3A_7 step %scan3A_8  : i32 {
      %mul3A_11 = arith.constant 16 : i32
      %mul3A_12 = arith.muli %scan3A_10, %mul3A_11 : i32
      %multiple_of3A_13 = tpu.assume_multiple %mul3A_12, 16 : i32
      %get3A = arith.index_cast %multiple_of3A_13 : i32 to index
      %get3A_14 = tpu.vector_load %arg6[%get3A] {strides = array<i32>} : memref<512xf32, #tpu.memory_space<vmem>>, vector<16xf32>,
      %get3A_15 = vector.shape_cast %get3A_14 : vector<16xf32> to vector<16xf32>
      %bitcast_convert_type3A = tpu.bitcast %get3A_15 : vector<16xf32> -> vector<16xi32>
      %shift_right_arithmetic3A = arith.constant 23 : i32
      %shift_right_arithmetic3A_16 = vector.broadcast %shift_right_arithmetic3A : i32 to vector<16xi32>
      %shift_right_arithmetic3A_17 = arith.shrsi %bitcast_convert_type3A, %shift_right_arithmetic3A_16 : vector<16xi32>
      %sub3A = arith.constant 127 : i32
      %sub3A_18 = vector.broadcast %sub3A : i32 to vector<16xi32>
      %sub3A_19 = arith.subi %shift_right_arithmetic3A_17, %sub3A_18 : vector<16xi32>
      %convert_element_type3A = arith.sitofp %sub3A_19 : vector<16xi32> to vector<16xf32>
      %and3A = arith.constant 8388607 : i32
      %and3A_20 = vector.broadcast %and3A : i32 to vector<16xi32>
      %and3A_21 = arith.andi %bitcast_convert_type3A, %and3A_20 : vector<16xi32>
      %or3A = arith.constant 1065353216 : i32
      %or3A_22 = vector.broadcast %or3A : i32 to vector<16xi32>
      %or3A_23 = arith.ori %and3A_21, %or3A_22 : vector<16xi32>
      %bitcast_convert_type3A_24 = tpu.bitcast %or3A_23 : vector<16xi32> -> vector<16xf32>
      %sub3A_25 = arith.constant 1.000000e+00 : f32
      %sub3A_26 = vector.broadcast %sub3A_25 : f32 to vector<16xf32>
      %sub3A_27 = arith.subf %bitcast_convert_type3A_24, %sub3A_26 : vector<16xf32>
      %mul3A_28 = arith.constant 0.0101190833 : f32
      %mul3A_29 = vector.broadcast %mul3A_28 : f32 to vector<16xf32>
      %mul3A_30 = arith.mulf %mul3A_29, %sub3A_27 : vector<16xf32>
      %add3A_31 = arith.constant -0.0526248515 : f32
      %add3A_32 = vector.broadcast %add3A_31 : f32 to vector<16xf32>
      %add3A_33 = arith.addf %mul3A_30, %add3A_32 : vector<16xf32>
      %mul3A_34 = arith.mulf %add3A_33, %sub3A_27 : vector<16xf32>
      %add3A_35 = arith.constant 0.130765036 : f32
      %add3A_36 = vector.broadcast %add3A_35 : f32 to vector<16xf32>
      %add3A_37 = arith.addf %mul3A_34, %add3A_36 : vector<16xf32>
      %mul3A_38 = arith.mulf %add3A_37, %sub3A_27 : vector<16xf32>
      %add3A_39 = arith.constant -0.222836256 : f32
      %add3A_40 = vector.broadcast %add3A_39 : f32 to vector<16xf32>
      %add3A_41 = arith.addf %mul3A_38, %add3A_40 : vector<16xf32>
      %mul3A_42 = arith.mulf %add3A_41, %sub3A_27 : vector<16xf32>
      %add3A_43 = arith.constant 0.32697311 : f32
      %add3A_44 = vector.broadcast %add3A_43 : f32 to vector<16xf32>
      %add3A_45 = arith.addf %mul3A_42, %add3A_44 : vector<16xf32>
      %mul3A_46 = arith.mulf %add3A_45, %sub3A_27 : vector<16xf32>
      %add3A_47 = arith.constant -0.499206573 : f32
      %add3A_48 = vector.broadcast %add3A_47 : f32 to vector<16xf32>
      %add3A_49 = arith.addf %mul3A_46, %add3A_48 : vector<16xf32>
      %mul3A_50 = arith.mulf %add3A_49, %sub3A_27 : vector<16xf32>
      %add3A_51 = arith.constant 0.999957501 : f32
      %add3A_52 = vector.broadcast %add3A_51 : f32 to vector<16xf32>
      %add3A_53 = arith.addf %mul3A_50, %add3A_52 : vector<16xf32>
      %mul3A_54 = arith.mulf %add3A_53, %sub3A_27 : vector<16xf32>
      %add3A_55 = arith.constant 5.62195908E-7 : f32
      %add3A_56 = vector.broadcast %add3A_55 : f32 to vector<16xf32>
      %add3A_57 = arith.addf %mul3A_54, %add3A_56 : vector<16xf32>
      %mul3A_58 = arith.constant 0.693147182 : f32
      %mul3A_59 = vector.broadcast %mul3A_58 : f32 to vector<16xf32>
      %mul3A_60 = arith.mulf %convert_element_type3A, %mul3A_59 : vector<16xf32>
      %add3A_61 = arith.addf %mul3A_60, %add3A_57 : vector<16xf32>
      %swap3A = arith.index_cast %multiple_of3A_13 : i32 to index
      %swap3A_62 = tpu.vector_load %arg6[%swap3A] {strides = array<i32>} : memref<512xf32, #tpu.memory_space<vmem>>, vector<16xf32>,
      %swap3A_63 = vector.shape_cast %swap3A_62 : vector<16xf32> to vector<16xf32>
      %swap3A_64 = vector.shape_cast %add3A_61 : vector<16xf32> to vector<16xf32>
      tpu.vector_store %arg6[%swap3A], %swap3A_64 {strides = array<i32>} : memref<512xf32, #tpu.memory_space<vmem>>, vector<16xf32>,
      %scan3A_65 = arith.constant 1 : i32
      %scan3A_66 = arith.addi %scan3A_10, %scan3A_65 : i32
      %mul3A_67 = arith.constant 16 : i32
      %mul3A_68 = arith.muli %scan3A_66, %mul3A_67 : i32
      %multiple_of3A_69 = tpu.assume_multiple %mul3A_68, 16 : i32
      %get3A_70 = arith.index_cast %multiple_of3A_69 : i32 to index
      %get3A_71 = tpu.vector_load %arg6[%get3A_70] {strides = array<i32>} : memref<512xf32, #tpu.memory_space<vmem>>, vector<16xf32>,
      %get3A_72 = vector.shape_cast %get3A_71 : vector<16xf32> to vector<16xf32>
      %bitcast_convert_type3A_73 = tpu.bitcast %get3A_72 : vector<16xf32> -> vector<16xi32>
      %shift_right_arithmetic3A_74 = arith.constant 23 : i32
      %shift_right_arithmetic3A_75 = vector.broadcast %shift_right_arithmetic3A_74 : i32 to vector<16xi32>
      %shift_right_arithmetic3A_76 = arith.shrsi %bitcast_convert_type3A_73, %shift_right_arithmetic3A_75 : vector<16xi32>
      %sub3A_77 = arith.constant 127 : i32
      %sub3A_78 = vector.broadcast %sub3A_77 : i32 to vector<16xi32>
      %sub3A_79 = arith.subi %shift_right_arithmetic3A_76, %sub3A_78 : vector<16xi32>
      %convert_element_type3A_80 = arith.sitofp %sub3A_79 : vector<16xi32> to vector<16xf32>
      %and3A_81 = arith.constant 8388607 : i32
      %and3A_82 = vector.broadcast %and3A_81 : i32 to vector<16xi32>
      %and3A_83 = arith.andi %bitcast_convert_type3A_73, %and3A_82 : vector<16xi32>
      %or3A_84 = arith.constant 1065353216 : i32
      %or3A_85 = vector.broadcast %or3A_84 : i32 to vector<16xi32>
      %or3A_86 = arith.ori %and3A_83, %or3A_85 : vector<16xi32>
      %bitcast_convert_type3A_87 = tpu.bitcast %or3A_86 : vector<16xi32> -> vector<16xf32>
      %sub3A_88 = arith.constant 1.000000e+00 : f32
      %sub3A_89 = vector.broadcast %sub3A_88 : f32 to vector<16xf32>
      %sub3A_90 = arith.subf %bitcast_convert_type3A_87, %sub3A_89 : vector<16xf32>
      %mul3A_91 = arith.constant 0.0101190833 : f32
      %mul3A_92 = vector.broadcast %mul3A_91 : f32 to vector<16xf32>
      %mul3A_93 = arith.mulf %mul3A_92, %sub3A_90 : vector<16xf32>
      %add3A_94 = arith.constant -0.0526248515 : f32
      %add3A_95 = vector.broadcast %add3A_94 : f32 to vector<16xf32>
      %add3A_96 = arith.addf %mul3A_93, %add3A_95 : vector<16xf32>
      %mul3A_97 = arith.mulf %add3A_96, %sub3A_90 : vector<16xf32>
      %add3A_98 = arith.constant 0.130765036 : f32
      %add3A_99 = vector.broadcast %add3A_98 : f32 to vector<16xf32>
      %add3A_100 = arith.addf %mul3A_97, %add3A_99 : vector<16xf32>
      %mul3A_101 = arith.mulf %add3A_100, %sub3A_90 : vector<16xf32>
      %add3A_102 = arith.constant -0.222836256 : f32
      %add3A_103 = vector.broadcast %add3A_102 : f32 to vector<16xf32>
      %add3A_104 = arith.addf %mul3A_101, %add3A_103 : vector<16xf32>
      %mul3A_105 = arith.mulf %add3A_104, %sub3A_90 : vector<16xf32>
      %add3A_106 = arith.constant 0.32697311 : f32
      %add3A_107 = vector.broadcast %add3A_106 : f32 to vector<16xf32>
      %add3A_108 = arith.addf %mul3A_105, %add3A_107 : vector<16xf32>
      %mul3A_109 = arith.mulf %add3A_108, %sub3A_90 : vector<16xf32>
      %add3A_110 = arith.constant -0.499206573 : f32
      %add3A_111 = vector.broadcast %add3A_110 : f32 to vector<16xf32>
      %add3A_112 = arith.addf %mul3A_109, %add3A_111 : vector<16xf32>
      %mul3A_113 = arith.mulf %add3A_112, %sub3A_90 : vector<16xf32>
      %add3A_114 = arith.constant 0.999957501 : f32
      %add3A_115 = vector.broadcast %add3A_114 : f32 to vector<16xf32>
      %add3A_116 = arith.addf %mul3A_113, %add3A_115 : vector<16xf32>
      %mul3A_117 = arith.mulf %add3A_116, %sub3A_90 : vector<16xf32>
      %add3A_118 = arith.constant 5.62195908E-7 : f32
      %add3A_119 = vector.broadcast %add3A_118 : f32 to vector<16xf32>
      %add3A_120 = arith.addf %mul3A_117, %add3A_119 : vector<16xf32>
      %mul3A_121 = arith.constant 0.693147182 : f32
      %mul3A_122 = vector.broadcast %mul3A_121 : f32 to vector<16xf32>
      %mul3A_123 = arith.mulf %convert_element_type3A_80, %mul3A_122 : vector<16xf32>
      %add3A_124 = arith.addf %mul3A_123, %add3A_120 : vector<16xf32>
      %swap3A_125 = arith.index_cast %multiple_of3A_69 : i32 to index
      %swap3A_126 = tpu.vector_load %arg6[%swap3A_125] {strides = array<i32>} : memref<512xf32, #tpu.memory_space<vmem>>, vector<16xf32>,
      %swap3A_127 = vector.shape_cast %swap3A_126 : vector<16xf32> to vector<16xf32>
      %swap3A_128 = vector.shape_cast %add3A_124 : vector<16xf32> to vector<16xf32>
      tpu.vector_store %arg6[%swap3A_125], %swap3A_128 {strides = array<i32>} : memref<512xf32, #tpu.memory_space<vmem>>, vector<16xf32>,
      %scan3A_129 = arith.constant 2 : i32
      %scan3A_130 = arith.addi %scan3A_10, %scan3A_129 : i32
      %mul3A_131 = arith.constant 16 : i32
      %mul3A_132 = arith.muli %scan3A_130, %mul3A_131 : i32
      %multiple_of3A_133 = tpu.assume_multiple %mul3A_132, 16 : i32
      %get3A_134 = arith.index_cast %multiple_of3A_133 : i32 to index
      %get3A_135 = tpu.vector_load %arg6[%get3A_134] {strides = array<i32>} : memref<512xf32, #tpu.memory_space<vmem>>, vector<16xf32>,
      %get3A_136 = vector.shape_cast %get3A_135 : vector<16xf32> to vector<16xf32>
      %bitcast_convert_type3A_137 = tpu.bitcast %get3A_136 : vector<16xf32> -> vector<16xi32>
      %shift_right_arithmetic3A_138 = arith.constant 23 : i32
      %shift_right_arithmetic3A_139 = vector.broadcast %shift_right_arithmetic3A_138 : i32 to vector<16xi32>
      %shift_right_arithmetic3A_140 = arith.shrsi %bitcast_convert_type3A_137, %shift_right_arithmetic3A_139 : vector<16xi32>
      %sub3A_141 = arith.constant 127 : i32
      %sub3A_142 = vector.broadcast %sub3A_141 : i32 to vector<16xi32>
      %sub3A_143 = arith.subi %shift_right_arithmetic3A_140, %sub3A_142 : vector<16xi32>
      %convert_element_type3A_144 = arith.sitofp %sub3A_143 : vector<16xi32> to vector<16xf32>
      %and3A_145 = arith.constant 8388607 : i32
      %and3A_146 = vector.broadcast %and3A_145 : i32 to vector<16xi32>
      %and3A_147 = arith.andi %bitcast_convert_type3A_137, %and3A_146 : vector<16xi32>
      %or3A_148 = arith.constant 1065353216 : i32
      %or3A_149 = vector.broadcast %or3A_148 : i32 to vector<16xi32>
      %or3A_150 = arith.ori %and3A_147, %or3A_149 : vector<16xi32>
      %bitcast_convert_type3A_151 = tpu.bitcast %or3A_150 : vector<16xi32> -> vector<16xf32>
      %sub3A_152 = arith.constant 1.000000e+00 : f32
      %sub3A_153 = vector.broadcast %sub3A_152 : f32 to vector<16xf32>
      %sub3A_154 = arith.subf %bitcast_convert_type3A_151, %sub3A_153 : vector<16xf32>
      %mul3A_155 = arith.constant 0.0101190833 : f32
      %mul3A_156 = vector.broadcast %mul3A_155 : f32 to vector<16xf32>
      %mul3A_157 = arith.mulf %mul3A_156, %sub3A_154 : vector<16xf32>
      %add3A_158 = arith.constant -0.0526248515 : f32
      %add3A_159 = vector.broadcast %add3A_158 : f32 to vector<16xf32>
      %add3A_160 = arith.addf %mul3A_157, %add3A_159 : vector<16xf32>
      %mul3A_161 = arith.mulf %add3A_160, %sub3A_154 : vector<16xf32>
      %add3A_162 = arith.constant 0.130765036 : f32
      %add3A_163 = vector.broadcast %add3A_162 : f32 to vector<16xf32>
      %add3A_164 = arith.addf %mul3A_161, %add3A_163 : vector<16xf32>
      %mul3A_165 = arith.mulf %add3A_164, %sub3A_154 : vector<16xf32>
      %add3A_166 = arith.constant -0.222836256 : f32
      %add3A_167 = vector.broadcast %add3A_166 : f32 to vector<16xf32>
      %add3A_168 = arith.addf %mul3A_165, %add3A_167 : vector<16xf32>
      %mul3A_169 = arith.mulf %add3A_168, %sub3A_154 : vector<16xf32>
      %add3A_170 = arith.constant 0.32697311 : f32
      %add3A_171 = vector.broadcast %add3A_170 : f32 to vector<16xf32>
      %add3A_172 = arith.addf %mul3A_169, %add3A_171 : vector<16xf32>
      %mul3A_173 = arith.mulf %add3A_172, %sub3A_154 : vector<16xf32>
      %add3A_174 = arith.constant -0.499206573 : f32
      %add3A_175 = vector.broadcast %add3A_174 : f32 to vector<16xf32>
      %add3A_176 = arith.addf %mul3A_173, %add3A_175 : vector<16xf32>
      %mul3A_177 = arith.mulf %add3A_176, %sub3A_154 : vector<16xf32>
      %add3A_178 = arith.constant 0.999957501 : f32
      %add3A_179 = vector.broadcast %add3A_178 : f32 to vector<16xf32>
      %add3A_180 = arith.addf %mul3A_177, %add3A_179 : vector<16xf32>
      %mul3A_181 = arith.mulf %add3A_180, %sub3A_154 : vector<16xf32>
      %add3A_182 = arith.constant 5.62195908E-7 : f32
      %add3A_183 = vector.broadcast %add3A_182 : f32 to vector<16xf32>
      %add3A_184 = arith.addf %mul3A_181, %add3A_183 : vector<16xf32>
      %mul3A_185 = arith.constant 0.693147182 : f32
      %mul3A_186 = vector.broadcast %mul3A_185 : f32 to vector<16xf32>
      %mul3A_187 = arith.mulf %convert_element_type3A_144, %mul3A_186 : vector<16xf32>
      %add3A_188 = arith.addf %mul3A_187, %add3A_184 : vector<16xf32>
      %swap3A_189 = arith.index_cast %multiple_of3A_133 : i32 to index
      %swap3A_190 = tpu.vector_load %arg6[%swap3A_189] {strides = array<i32>} : memref<512xf32, #tpu.memory_space<vmem>>, vector<16xf32>,
      %swap3A_191 = vector.shape_cast %swap3A_190 : vector<16xf32> to vector<16xf32>
      %swap3A_192 = vector.shape_cast %add3A_188 : vector<16xf32> to vector<16xf32>
      tpu.vector_store %arg6[%swap3A_189], %swap3A_192 {strides = array<i32>} : memref<512xf32, #tpu.memory_space<vmem>>, vector<16xf32>,
      %scan3A_193 = arith.constant 3 : i32
      %scan3A_194 = arith.addi %scan3A_10, %scan3A_193 : i32
      %mul3A_195 = arith.constant 16 : i32
      %mul3A_196 = arith.muli %scan3A_194, %mul3A_195 : i32
      %multiple_of3A_197 = tpu.assume_multiple %mul3A_196, 16 : i32
      %get3A_198 = arith.index_cast %multiple_of3A_197 : i32 to index
      %get3A_199 = tpu.vector_load %arg6[%get3A_198] {strides = array<i32>} : memref<512xf32, #tpu.memory_space<vmem>>, vector<16xf32>,
      %get3A_200 = vector.shape_cast %get3A_199 : vector<16xf32> to vector<16xf32>
      %bitcast_convert_type3A_201 = tpu.bitcast %get3A_200 : vector<16xf32> -> vector<16xi32>
      %shift_right_arithmetic3A_202 = arith.constant 23 : i32
      %shift_right_arithmetic3A_203 = vector.broadcast %shift_right_arithmetic3A_202 : i32 to vector<16xi32>
      %shift_right_arithmetic3A_204 = arith.shrsi %bitcast_convert_type3A_201, %shift_right_arithmetic3A_203 : vector<16xi32>
      %sub3A_205 = arith.constant 127 : i32
      %sub3A_206 = vector.broadcast %sub3A_205 : i32 to vector<16xi32>
      %sub3A_207 = arith.subi %shift_right_arithmetic3A_204, %sub3A_206 : vector<16xi32>
      %convert_element_type3A_208 = arith.sitofp %sub3A_207 : vector<16xi32> to vector<16xf32>
      %and3A_209 = arith.constant 8388607 : i32
      %and3A_210 = vector.broadcast %and3A_209 : i32 to vector<16xi32>
      %and3A_211 = arith.andi %bitcast_convert_type3A_201, %and3A_210 : vector<16xi32>
      %or3A_212 = arith.constant 1065353216 : i32
      %or3A_213 = vector.broadcast %or3A_212 : i32 to vector<16xi32>
      %or3A_214 = arith.ori %and3A_211, %or3A_213 : vector<16xi32>
      %bitcast_convert_type3A_215 = tpu.bitcast %or3A_214 : vector<16xi32> -> vector<16xf32>
      %sub3A_216 = arith.constant 1.000000e+00 : f32
      %sub3A_217 = vector.broadcast %sub3A_216 : f32 to vector<16xf32>
      %sub3A_218 = arith.subf %bitcast_convert_type3A_215, %sub3A_217 : vector<16xf32>
      %mul3A_219 = arith.constant 0.0101190833 : f32
      %mul3A_220 = vector.broadcast %mul3A_219 : f32 to vector<16xf32>
      %mul3A_221 = arith.mulf %mul3A_220, %sub3A_218 : vector<16xf32>
      %add3A_222 = arith.constant -0.0526248515 : f32
      %add3A_223 = vector.broadcast %add3A_222 : f32 to vector<16xf32>
      %add3A_224 = arith.addf %mul3A_221, %add3A_223 : vector<16xf32>
      %mul3A_225 = arith.mulf %add3A_224, %sub3A_218 : vector<16xf32>
      %add3A_226 = arith.constant 0.130765036 : f32
      %add3A_227 = vector.broadcast %add3A_226 : f32 to vector<16xf32>
      %add3A_228 = arith.addf %mul3A_225, %add3A_227 : vector<16xf32>
      %mul3A_229 = arith.mulf %add3A_228, %sub3A_218 : vector<16xf32>
      %add3A_230 = arith.constant -0.222836256 : f32
      %add3A_231 = vector.broadcast %add3A_230 : f32 to vector<16xf32>
      %add3A_232 = arith.addf %mul3A_229, %add3A_231 : vector<16xf32>
      %mul3A_233 = arith.mulf %add3A_232, %sub3A_218 : vector<16xf32>
      %add3A_234 = arith.constant 0.32697311 : f32
      %add3A_235 = vector.broadcast %add3A_234 : f32 to vector<16xf32>
      %add3A_236 = arith.addf %mul3A_233, %add3A_235 : vector<16xf32>
      %mul3A_237 = arith.mulf %add3A_236, %sub3A_218 : vector<16xf32>
      %add3A_238 = arith.constant -0.499206573 : f32
      %add3A_239 = vector.broadcast %add3A_238 : f32 to vector<16xf32>
      %add3A_240 = arith.addf %mul3A_237, %add3A_239 : vector<16xf32>
      %mul3A_241 = arith.mulf %add3A_240, %sub3A_218 : vector<16xf32>
      %add3A_242 = arith.constant 0.999957501 : f32
      %add3A_243 = vector.broadcast %add3A_242 : f32 to vector<16xf32>
      %add3A_244 = arith.addf %mul3A_241, %add3A_243 : vector<16xf32>
      %mul3A_245 = arith.mulf %add3A_244, %sub3A_218 : vector<16xf32>
      %add3A_246 = arith.constant 5.62195908E-7 : f32
      %add3A_247 = vector.broadcast %add3A_246 : f32 to vector<16xf32>
      %add3A_248 = arith.addf %mul3A_245, %add3A_247 : vector<16xf32>
      %mul3A_249 = arith.constant 0.693147182 : f32
      %mul3A_250 = vector.broadcast %mul3A_249 : f32 to vector<16xf32>
      %mul3A_251 = arith.mulf %convert_element_type3A_208, %mul3A_250 : vector<16xf32>
      %add3A_252 = arith.addf %mul3A_251, %add3A_248 : vector<16xf32>
      %swap3A_253 = arith.index_cast %multiple_of3A_197 : i32 to index
      %swap3A_254 = tpu.vector_load %arg6[%swap3A_253] {strides = array<i32>} : memref<512xf32, #tpu.memory_space<vmem>>, vector<16xf32>,
      %swap3A_255 = vector.shape_cast %swap3A_254 : vector<16xf32> to vector<16xf32>
      %swap3A_256 = vector.shape_cast %add3A_252 : vector<16xf32> to vector<16xf32>
      tpu.vector_store %arg6[%swap3A_253], %swap3A_256 {strides = array<i32>} : memref<512xf32, #tpu.memory_space<vmem>>, vector<16xf32>,
    }
    %scan3A_9 = arith.constant 32 : i32
    "tpu.region"() ({
      %run_scoped3A = tpu.sem_alloc : memref<!tpu.dma_semaphore, #tpu.memory_space<semaphore_mem>>
      %dma_start3A_10 = tpu.memref_slice %arg4[%multiple_of3A] : memref<16384xf32, #tpu.memory_space<hbm>> -> memref<512xf32, #tpu.memory_space<hbm>>
      %dma_start3A_11 = tpu.memref_slice %arg4[%multiple_of3A] : memref<16384xf32, #tpu.memory_space<hbm>> -> memref<512xf32, #tpu.memory_space<hbm>>
      tpu.enqueue_dma source(%arg6 : memref<512xf32, #tpu.memory_space<vmem>>) target(%dma_start3A_11 : memref<512xf32, #tpu.memory_space<hbm>>) target_semaphore(%run_scoped3A : memref<!tpu.dma_semaphore, #tpu.memory_space<semaphore_mem>>)
      %dma_wait3A_12 = tpu.memref_slice %arg4[%multiple_of3A] : memref<16384xf32, #tpu.memory_space<hbm>> -> memref<512xf32, #tpu.memory_space<hbm>>
      %dma_wait3A_13 = tpu.memref_slice %arg4[%multiple_of3A] : memref<16384xf32, #tpu.memory_space<hbm>> -> memref<512xf32, #tpu.memory_space<hbm>>
      tpu.wait_dma2 semaphore(%run_scoped3A : memref<!tpu.dma_semaphore, #tpu.memory_space<semaphore_mem>>) src(%arg6 : memref<512xf32, #tpu.memory_space<vmem>>) dst(%dma_wait3A_13 : memref<512xf32, #tpu.memory_space<hbm>>)
      tpu.yield
    }) : () -> ()
    return
  }
}

module attributes {stable_mosaic.version = 14 : i64} {
  func.func @_pack_tc_body(%arg0: memref<20x16384xi32, #tpu.memory_space<vmem>>, %arg1: memref<16384xi32, #tpu.memory_space<vmem>>) attributes {dimension_semantics = [], scalar_prefetch = 0 : i64, scratch_operands = 0 : i64, tpu.core_type = #tpu.core_type<tc>} {
    %get3A = arith.constant 0 : index
    %get3A_0 = arith.constant 0 : index
    %get3A_1 = vector.load %arg0[%get3A, %get3A_0] : memref<20x16384xi32, #tpu.memory_space<vmem>>, vector<1x16384xi32>
    %get3A_2 = vector.shape_cast %get3A_1 : vector<1x16384xi32> to vector<16384xi32>
    %shift_left3A = arith.constant 19 : i32
    %shift_left3A_3 = vector.broadcast %shift_left3A : i32 to vector<16384xi32>
    %shift_left3A_4 = arith.shli %get3A_2, %shift_left3A_3 : vector<16384xi32>
    %get3A_5 = arith.constant 1 : index
    %get3A_6 = arith.constant 0 : index
    %get3A_7 = vector.load %arg0[%get3A_5, %get3A_6] : memref<20x16384xi32, #tpu.memory_space<vmem>>, vector<1x16384xi32>
    %get3A_8 = vector.shape_cast %get3A_7 : vector<1x16384xi32> to vector<16384xi32>
    %shift_left3A_9 = arith.constant 18 : i32
    %shift_left3A_10 = vector.broadcast %shift_left3A_9 : i32 to vector<16384xi32>
    %shift_left3A_11 = arith.shli %get3A_8, %shift_left3A_10 : vector<16384xi32>
    %get3A_12 = arith.constant 2 : index
    %get3A_13 = arith.constant 0 : index
    %get3A_14 = vector.load %arg0[%get3A_12, %get3A_13] : memref<20x16384xi32, #tpu.memory_space<vmem>>, vector<1x16384xi32>
    %get3A_15 = vector.shape_cast %get3A_14 : vector<1x16384xi32> to vector<16384xi32>
    %shift_left3A_16 = arith.constant 17 : i32
    %shift_left3A_17 = vector.broadcast %shift_left3A_16 : i32 to vector<16384xi32>
    %shift_left3A_18 = arith.shli %get3A_15, %shift_left3A_17 : vector<16384xi32>
    %get3A_19 = arith.constant 3 : index
    %get3A_20 = arith.constant 0 : index
    %get3A_21 = vector.load %arg0[%get3A_19, %get3A_20] : memref<20x16384xi32, #tpu.memory_space<vmem>>, vector<1x16384xi32>
    %get3A_22 = vector.shape_cast %get3A_21 : vector<1x16384xi32> to vector<16384xi32>
    %shift_left3A_23 = arith.constant 16 : i32
    %shift_left3A_24 = vector.broadcast %shift_left3A_23 : i32 to vector<16384xi32>
    %shift_left3A_25 = arith.shli %get3A_22, %shift_left3A_24 : vector<16384xi32>
    %get3A_26 = arith.constant 4 : index
    %get3A_27 = arith.constant 0 : index
    %get3A_28 = vector.load %arg0[%get3A_26, %get3A_27] : memref<20x16384xi32, #tpu.memory_space<vmem>>, vector<1x16384xi32>
    %get3A_29 = vector.shape_cast %get3A_28 : vector<1x16384xi32> to vector<16384xi32>
    %shift_left3A_30 = arith.constant 15 : i32
    %shift_left3A_31 = vector.broadcast %shift_left3A_30 : i32 to vector<16384xi32>
    %shift_left3A_32 = arith.shli %get3A_29, %shift_left3A_31 : vector<16384xi32>
    %add3A = arith.addi %shift_left3A_4, %shift_left3A_32 : vector<16384xi32>
    %get3A_33 = arith.constant 5 : index
    %get3A_34 = arith.constant 0 : index
    %get3A_35 = vector.load %arg0[%get3A_33, %get3A_34] : memref<20x16384xi32, #tpu.memory_space<vmem>>, vector<1x16384xi32>
    %get3A_36 = vector.shape_cast %get3A_35 : vector<1x16384xi32> to vector<16384xi32>
    %shift_left3A_37 = arith.constant 14 : i32
    %shift_left3A_38 = vector.broadcast %shift_left3A_37 : i32 to vector<16384xi32>
    %shift_left3A_39 = arith.shli %get3A_36, %shift_left3A_38 : vector<16384xi32>
    %add3A_40 = arith.addi %shift_left3A_11, %shift_left3A_39 : vector<16384xi32>
    %get3A_41 = arith.constant 6 : index
    %get3A_42 = arith.constant 0 : index
    %get3A_43 = vector.load %arg0[%get3A_41, %get3A_42] : memref<20x16384xi32, #tpu.memory_space<vmem>>, vector<1x16384xi32>
    %get3A_44 = vector.shape_cast %get3A_43 : vector<1x16384xi32> to vector<16384xi32>
    %shift_left3A_45 = arith.constant 13 : i32
    %shift_left3A_46 = vector.broadcast %shift_left3A_45 : i32 to vector<16384xi32>
    %shift_left3A_47 = arith.shli %get3A_44, %shift_left3A_46 : vector<16384xi32>
    %add3A_48 = arith.addi %shift_left3A_18, %shift_left3A_47 : vector<16384xi32>
    %get3A_49 = arith.constant 7 : index
    %get3A_50 = arith.constant 0 : index
    %get3A_51 = vector.load %arg0[%get3A_49, %get3A_50] : memref<20x16384xi32, #tpu.memory_space<vmem>>, vector<1x16384xi32>
    %get3A_52 = vector.shape_cast %get3A_51 : vector<1x16384xi32> to vector<16384xi32>
    %shift_left3A_53 = arith.constant 12 : i32
    %shift_left3A_54 = vector.broadcast %shift_left3A_53 : i32 to vector<16384xi32>
    %shift_left3A_55 = arith.shli %get3A_52, %shift_left3A_54 : vector<16384xi32>
    %add3A_56 = arith.addi %shift_left3A_25, %shift_left3A_55 : vector<16384xi32>
    %get3A_57 = arith.constant 8 : index
    %get3A_58 = arith.constant 0 : index
    %get3A_59 = vector.load %arg0[%get3A_57, %get3A_58] : memref<20x16384xi32, #tpu.memory_space<vmem>>, vector<1x16384xi32>
    %get3A_60 = vector.shape_cast %get3A_59 : vector<1x16384xi32> to vector<16384xi32>
    %shift_left3A_61 = arith.constant 11 : i32
    %shift_left3A_62 = vector.broadcast %shift_left3A_61 : i32 to vector<16384xi32>
    %shift_left3A_63 = arith.shli %get3A_60, %shift_left3A_62 : vector<16384xi32>
    %add3A_64 = arith.addi %add3A, %shift_left3A_63 : vector<16384xi32>
    %get3A_65 = arith.constant 9 : index
    %get3A_66 = arith.constant 0 : index
    %get3A_67 = vector.load %arg0[%get3A_65, %get3A_66] : memref<20x16384xi32, #tpu.memory_space<vmem>>, vector<1x16384xi32>
    %get3A_68 = vector.shape_cast %get3A_67 : vector<1x16384xi32> to vector<16384xi32>
    %shift_left3A_69 = arith.constant 10 : i32
    %shift_left3A_70 = vector.broadcast %shift_left3A_69 : i32 to vector<16384xi32>
    %shift_left3A_71 = arith.shli %get3A_68, %shift_left3A_70 : vector<16384xi32>
    %add3A_72 = arith.addi %add3A_40, %shift_left3A_71 : vector<16384xi32>
    %get3A_73 = arith.constant 10 : index
    %get3A_74 = arith.constant 0 : index
    %get3A_75 = vector.load %arg0[%get3A_73, %get3A_74] : memref<20x16384xi32, #tpu.memory_space<vmem>>, vector<1x16384xi32>
    %get3A_76 = vector.shape_cast %get3A_75 : vector<1x16384xi32> to vector<16384xi32>
    %shift_left3A_77 = arith.constant 9 : i32
    %shift_left3A_78 = vector.broadcast %shift_left3A_77 : i32 to vector<16384xi32>
    %shift_left3A_79 = arith.shli %get3A_76, %shift_left3A_78 : vector<16384xi32>
    %add3A_80 = arith.addi %add3A_48, %shift_left3A_79 : vector<16384xi32>
    %get3A_81 = arith.constant 11 : index
    %get3A_82 = arith.constant 0 : index
    %get3A_83 = vector.load %arg0[%get3A_81, %get3A_82] : memref<20x16384xi32, #tpu.memory_space<vmem>>, vector<1x16384xi32>
    %get3A_84 = vector.shape_cast %get3A_83 : vector<1x16384xi32> to vector<16384xi32>
    %shift_left3A_85 = arith.constant 8 : i32
    %shift_left3A_86 = vector.broadcast %shift_left3A_85 : i32 to vector<16384xi32>
    %shift_left3A_87 = arith.shli %get3A_84, %shift_left3A_86 : vector<16384xi32>
    %add3A_88 = arith.addi %add3A_56, %shift_left3A_87 : vector<16384xi32>
    %get3A_89 = arith.constant 12 : index
    %get3A_90 = arith.constant 0 : index
    %get3A_91 = vector.load %arg0[%get3A_89, %get3A_90] : memref<20x16384xi32, #tpu.memory_space<vmem>>, vector<1x16384xi32>
    %get3A_92 = vector.shape_cast %get3A_91 : vector<1x16384xi32> to vector<16384xi32>
    %shift_left3A_93 = arith.constant 7 : i32
    %shift_left3A_94 = vector.broadcast %shift_left3A_93 : i32 to vector<16384xi32>
    %shift_left3A_95 = arith.shli %get3A_92, %shift_left3A_94 : vector<16384xi32>
    %add3A_96 = arith.addi %add3A_64, %shift_left3A_95 : vector<16384xi32>
    %get3A_97 = arith.constant 13 : index
    %get3A_98 = arith.constant 0 : index
    %get3A_99 = vector.load %arg0[%get3A_97, %get3A_98] : memref<20x16384xi32, #tpu.memory_space<vmem>>, vector<1x16384xi32>
    %get3A_100 = vector.shape_cast %get3A_99 : vector<1x16384xi32> to vector<16384xi32>
    %shift_left3A_101 = arith.constant 6 : i32
    %shift_left3A_102 = vector.broadcast %shift_left3A_101 : i32 to vector<16384xi32>
    %shift_left3A_103 = arith.shli %get3A_100, %shift_left3A_102 : vector<16384xi32>
    %add3A_104 = arith.addi %add3A_72, %shift_left3A_103 : vector<16384xi32>
    %get3A_105 = arith.constant 14 : index
    %get3A_106 = arith.constant 0 : index
    %get3A_107 = vector.load %arg0[%get3A_105, %get3A_106] : memref<20x16384xi32, #tpu.memory_space<vmem>>, vector<1x16384xi32>
    %get3A_108 = vector.shape_cast %get3A_107 : vector<1x16384xi32> to vector<16384xi32>
    %shift_left3A_109 = arith.constant 5 : i32
    %shift_left3A_110 = vector.broadcast %shift_left3A_109 : i32 to vector<16384xi32>
    %shift_left3A_111 = arith.shli %get3A_108, %shift_left3A_110 : vector<16384xi32>
    %add3A_112 = arith.addi %add3A_80, %shift_left3A_111 : vector<16384xi32>
    %get3A_113 = arith.constant 15 : index
    %get3A_114 = arith.constant 0 : index
    %get3A_115 = vector.load %arg0[%get3A_113, %get3A_114] : memref<20x16384xi32, #tpu.memory_space<vmem>>, vector<1x16384xi32>
    %get3A_116 = vector.shape_cast %get3A_115 : vector<1x16384xi32> to vector<16384xi32>
    %shift_left3A_117 = arith.constant 4 : i32
    %shift_left3A_118 = vector.broadcast %shift_left3A_117 : i32 to vector<16384xi32>
    %shift_left3A_119 = arith.shli %get3A_116, %shift_left3A_118 : vector<16384xi32>
    %add3A_120 = arith.addi %add3A_88, %shift_left3A_119 : vector<16384xi32>
    %get3A_121 = arith.constant 16 : index
    %get3A_122 = arith.constant 0 : index
    %get3A_123 = vector.load %arg0[%get3A_121, %get3A_122] : memref<20x16384xi32, #tpu.memory_space<vmem>>, vector<1x16384xi32>
    %get3A_124 = vector.shape_cast %get3A_123 : vector<1x16384xi32> to vector<16384xi32>
    %shift_left3A_125 = arith.constant 3 : i32
    %shift_left3A_126 = vector.broadcast %shift_left3A_125 : i32 to vector<16384xi32>
    %shift_left3A_127 = arith.shli %get3A_124, %shift_left3A_126 : vector<16384xi32>
    %add3A_128 = arith.addi %add3A_96, %shift_left3A_127 : vector<16384xi32>
    %get3A_129 = arith.constant 17 : index
    %get3A_130 = arith.constant 0 : index
    %get3A_131 = vector.load %arg0[%get3A_129, %get3A_130] : memref<20x16384xi32, #tpu.memory_space<vmem>>, vector<1x16384xi32>
    %get3A_132 = vector.shape_cast %get3A_131 : vector<1x16384xi32> to vector<16384xi32>
    %shift_left3A_133 = arith.constant 2 : i32
    %shift_left3A_134 = vector.broadcast %shift_left3A_133 : i32 to vector<16384xi32>
    %shift_left3A_135 = arith.shli %get3A_132, %shift_left3A_134 : vector<16384xi32>
    %add3A_136 = arith.addi %add3A_104, %shift_left3A_135 : vector<16384xi32>
    %get3A_137 = arith.constant 18 : index
    %get3A_138 = arith.constant 0 : index
    %get3A_139 = vector.load %arg0[%get3A_137, %get3A_138] : memref<20x16384xi32, #tpu.memory_space<vmem>>, vector<1x16384xi32>
    %get3A_140 = vector.shape_cast %get3A_139 : vector<1x16384xi32> to vector<16384xi32>
    %shift_left3A_141 = arith.constant 1 : i32
    %shift_left3A_142 = vector.broadcast %shift_left3A_141 : i32 to vector<16384xi32>
    %shift_left3A_143 = arith.shli %get3A_140, %shift_left3A_142 : vector<16384xi32>
    %add3A_144 = arith.addi %add3A_112, %shift_left3A_143 : vector<16384xi32>
    %get3A_145 = arith.constant 19 : index
    %get3A_146 = arith.constant 0 : index
    %get3A_147 = vector.load %arg0[%get3A_145, %get3A_146] : memref<20x16384xi32, #tpu.memory_space<vmem>>, vector<1x16384xi32>
    %get3A_148 = vector.shape_cast %get3A_147 : vector<1x16384xi32> to vector<16384xi32>
    %shift_left3A_149 = arith.constant 0 : i32
    %shift_left3A_150 = vector.broadcast %shift_left3A_149 : i32 to vector<16384xi32>
    %shift_left3A_151 = arith.shli %get3A_148, %shift_left3A_150 : vector<16384xi32>
    %add3A_152 = arith.addi %add3A_120, %shift_left3A_151 : vector<16384xi32>
    %add3A_153 = arith.addi %add3A_128, %add3A_136 : vector<16384xi32>
    %add3A_154 = arith.addi %add3A_144, %add3A_152 : vector<16384xi32>
    %add3A_155 = arith.addi %add3A_153, %add3A_154 : vector<16384xi32>
    %add3A_156 = arith.constant 1048575 : i32
    %add3A_157 = vector.broadcast %add3A_156 : i32 to vector<16384xi32>
    %add3A_158 = arith.addi %add3A_155, %add3A_157 : vector<16384xi32>
    %shift_right_arithmetic3A = arith.constant 1 : i32
    %shift_right_arithmetic3A_159 = vector.broadcast %shift_right_arithmetic3A : i32 to vector<16384xi32>
    %shift_right_arithmetic3A_160 = arith.shrsi %add3A_158, %shift_right_arithmetic3A_159 : vector<16384xi32>
    %swap3A = arith.constant 0 : index
    %swap3A_161 = vector.load %arg1[%swap3A] : memref<16384xi32, #tpu.memory_space<vmem>>, vector<16384xi32>
    tpu.vector_store %arg1[%swap3A], %shift_right_arithmetic3A_160 {strides = array<i32>} : memref<16384xi32, #tpu.memory_space<vmem>>, vector<16384xi32>,
    return
  }
}

</mosaic_0001>

<sc_bundles>
// kernel: _ewf.4.cloned.1.call-start
scs
__scs_entry_jumppad:
0x0: {  	(pc) =	sbr.rel $0x88, $3  }
0x1: {  	(tag) =	ssettag $0x0;
	lr =	simm.s32 $0x1  }
0x2: {  	[smem:$0x3F9F] =	sst lr;
	_ =	strace $0xD0000000  }
0x3: {  	_ = 	snop  }
0x4: {  	_ = 	snop  }
0x5: {  	_ = 	snop  }
0x6: {  	_ = 	snop  }
0x7: {  	_ = 	snop  }
__scs_overlays_trampoline_lowered:
0x8: {  	[smem:$0x3FAE] =	sst s0  }
0x9: {  	[smem:$0x3FAF] =	sst s1  }
0xa: {  	[smem:$0x3FB0] =	sst s2  }
0xb: {  	[smem:$0x3FB1] =	sst s3  }
0xc: {  	[smem:$0x3FB2] =	sst s4  }
0xd: {  	[smem:$0x3FB3] =	sst s5  }
0xe: {  	[smem:$0x3FB4] =	sst s6  }
0xf: {  	[smem:$0x3FB5] =	sst s7  }
0x10: {  	[smem:$0x3FB6] =	sst s8  }
0x11: {  	[smem:$0x3FB7] =	sst s9;
	s0 =	simm.s32 @!p0 $0x0  }
0x12: {  	s1 =	sld [smem:$0x3F9D];
	s0 =	simm.s32 @p0 $0x1  }
0x13: {  	[smem:$0x3FB8] =	sst s0;
	s0 =	simm.s32 @!p1 $0x0  }
0x14: {  	s2 =	sld [smem:$0x3F9C];
	s0 =	simm.s32 @p1 $0x1  }
0x15: {  	[smem:$0x3FB9] =	sst s0;
	s0 =	simm.s32 @!p2 $0x0  }
0x16: {  	s3 =	sld [smem:$0x3FDB];
	s0 =	simm.s32 @p2 $0x1  }
0x17: {  	s4 =	simm.s32 $0x1BF5;
	[smem:$0x3FBB] =	sst s0  }
0x18: {  	s0 =	sld [smem:$0x3F9E];
	_ =	swait.ge [sflag:s4], $0x0  }
0x19: {  	s7 =	sld [smem:$0x3F9F]  }
0x1a: {  	s8 =	sadd.s32 $0xFFFFE003, lr  }
0x1b: {  	s9 =	sadd.s32 $0xFFFFFEF7, lr;
	s5 =	simm.s32 $0xFFFFFFFF;
	p2 =	slt.u32 s8, $0xFFFFF086  }
0x1c: {  	p1 =	slt.u32 s9, $0xF7A;
	s5 =	simm.s32 @!p2 $0x0  }
0x1d: {  	s5 =	simm.s32 @p1 $0x1;
	p0 =	seq.s32 s7, s2  }
0x1e: {  	s7 =	smul.u32 @!p0 $0xF7A, s2;
	p2 =	seq.s32 @!p0 s5, $0x0  }
0x1f: {  	s9 =	smul.u32 $0xF7A, s1;
	s8 =	simm.s32 @!p0 $0x1BF5;
	p2 =	por !p2, p0  }
0x20: {  	[sflag:s8] =	ssyncset.s32 @!p0 $0xFFFFF086;
	s6 =	sadd.s32 @!p0 s3, s7;
	s7 =	simm.s32 @!p0 $0x108  }
0x21: {  	s3 =	sadd.s32 s3, s9;
	s6 =	sadd.s32 @!p0 $0x88, s6;
	s7 =	simm.s32 @p2 $0x1082  }
0x22: {  	[simem:s7], [sflag:s8] =	dma.local @!p0 [hbm:s6], $0xF7A  }
0x23: {  	s9 =	sor.u32 $0xD0000000, s2;
	s6 =	simm.s32 $0x108;
	_ =	swait.ge @!p0 [sflag:s8], $0x0  }
0x24: {  	s3 =	sadd.s32 $0x88, s3;
	s6 =	simm.s32 @!p1 $0x1082;
	[sflag:s4] =	ssyncset.s32 $0xFFFFF086  }
0x25: {  	[simem:s6], [sflag:s4] =	dma.local [hbm:s3], $0xF7A  }
0x26: {  	[smem:$0x3F9F] =	sst s1;
	(tag) =	ssettag s2;
	_ =	strace s9  }
0x27: {  	s1 =	sld [smem:$0x3FAF]  }
0x28: {  	s2 =	sld [smem:$0x3FB0]  }
0x29: {  	s4 =	sld [smem:$0x3FB2]  }
0x2a: {  	p0 =	seq.s32 s5, $0x0;
	s5 =	sld [smem:$0x3FB3]  }
0x2b: {  	s6 =	sld [smem:$0x3FB4]  }
0x2c: {  	s7 =	sld [smem:$0x3FB5]  }
0x2d: {  	s3 =	simm.s32 $0x108;
	s8 =	sld [smem:$0x3FB6]  }
0x2e: {  	s3 =	simm.s32 @!p0 $0x1082;
	s9 =	sld [smem:$0x3FB7]  }
0x2f: {  	lr =	sadd.s32 s0, s3;
	s0 =	sld [smem:$0x3FAE]  }
0x30: {  	s3 =	sld [smem:$0x3FB1]  }
0x31: {  	[smem:$0x3FBA] =	sst s10  }
0x32: {  	s10 =	sld [smem:$0x3FB8];
	_ =	sdelay $0x3  }
0x33: {  	p0 =	seq.s32 s10, $0x1;
	s10 =	sld [smem:$0x3FBA];
	_ =	sdelay $0x3  }
0x34: {  	[smem:$0x3FBA] =	sst s10  }
0x35: {  	s10 =	sld [smem:$0x3FB9];
	_ =	sdelay $0x3  }
0x36: {  	p1 =	seq.s32 s10, $0x1;
	s10 =	sld [smem:$0x3FBA];
	_ =	sdelay $0x3  }
0x37: {  	[smem:$0x3FBA] =	sst s10  }
0x38: {  	s10 =	sld [smem:$0x3FBB]  }
0x39: {  	_ = 	snop;
	(pc) =	sbr.ind lr, $3  }
0x3a: {  	_ = 	snop  }
0x3b: {  	_ = 	snop  }
0x3c: {  	p2 =	seq.s32 s10, $0x1;
	s10 =	sld [smem:$0x3FBA]  }
0x3d: {  	_ =	shalt  }
0x3e: {  	_ =	shalt  }
0x3f: {  	_ =	shalt  }
0x40: {  	_ =	shalt  }
0x41: {  	_ =	shalt  }
0x42: {  	_ =	shalt  }
0x43: {  	_ =	shalt  }
0x44: {  	_ =	shalt  }
0x45: {  	_ =	shalt  }
0x46: {  	_ =	shalt  }
0x47: {  	_ =	shalt  }
0x48: {  	_ =	shalt  }
0x49: {  	_ =	shalt  }
0x4a: {  	_ =	shalt  }
0x4b: {  	_ =	shalt  }
0x4c: {  	_ =	shalt  }
0x4d: {  	_ =	shalt  }
0x4e: {  	_ =	shalt  }
0x4f: {  	_ =	shalt  }
0x50: {  	_ =	shalt  }
0x51: {  	_ =	shalt  }
0x52: {  	_ =	shalt  }
0x53: {  	_ =	shalt  }
0x54: {  	_ =	shalt  }
0x55: {  	_ =	shalt  }
0x56: {  	_ =	shalt  }
0x57: {  	_ =	shalt  }
0x58: {  	_ =	shalt  }
0x59: {  	_ =	shalt  }
0x5a: {  	_ =	shalt  }
0x5b: {  	_ =	shalt  }
0x5c: {  	_ =	shalt  }
0x5d: {  	_ =	shalt  }
0x5e: {  	_ =	shalt  }
0x5f: {  	_ =	shalt  }
0x60: {  	_ =	shalt  }
0x61: {  	_ =	shalt  }
0x62: {  	_ =	shalt  }
0x63: {  	_ =	shalt  }
0x64: {  	_ =	shalt  }
0x65: {  	_ =	shalt  }
0x66: {  	_ =	shalt  }
0x67: {  	_ =	shalt  }
0x68: {  	_ =	shalt  }
0x69: {  	_ =	shalt  }
0x6a: {  	_ =	shalt  }
0x6b: {  	_ =	shalt  }
0x6c: {  	_ =	shalt  }
0x6d: {  	_ =	shalt  }
0x6e: {  	_ =	shalt  }
0x6f: {  	_ =	shalt  }
0x70: {  	_ =	shalt  }
0x71: {  	_ =	shalt  }
0x72: {  	_ =	shalt  }
0x73: {  	_ =	shalt  }
0x74: {  	_ =	shalt  }
0x75: {  	_ =	shalt  }
0x76: {  	_ =	shalt  }
0x77: {  	_ =	shalt  }
0x78: {  	_ =	shalt  }
0x79: {  	_ =	shalt  }
0x7a: {  	_ =	shalt  }
0x7b: {  	_ =	shalt  }
0x7c: {  	_ =	shalt  }
0x7d: {  	_ =	shalt  }
0x7e: {  	_ =	shalt  }
0x7f: {  	_ =	shalt  }
0x80: {  	_ =	shalt  }
0x81: {  	_ =	shalt  }
0x82: {  	_ =	shalt  }
0x83: {  	_ =	shalt  }
0x84: {  	_ =	shalt  }
0x85: {  	_ =	shalt  }
0x86: {  	_ =	shalt  }
0x87: {  	_ =	shalt  }
.Lfunc_end0:
.L_simem_size_0:
called_computation_lowered:
.L_overlay_start_0:
0x88: {  	s2 =	sld [smem:$0x3FD9]  }
0x89: {  	s3 =	sld [smem:$0x3FFE];
	_ =	sdelay $0x1  }
0x8a: {  	s1 =	srdreg.scid  }
0x8b: {  	s0 =	sand.u32 $0x1, s1  }
0x8c: {  	s17 =	sshll.u32 s0, $0xA;
	s2 =	sadd.s32 s3, s2  }
0x8d: {  	s2 =	sadd.s32 s2, s17  }
0x8e: {  	[smem:$0x3FC6] =	sst s2  }
0x8f: {  	_ = 	snop  }
0x90: {  	s2 =	sld [smem:$0x3FC8]  }
0x91: {  	s18 =	sld [smem:$0x3FD0];
	(tm) =	ssettm $0x1  }
0x92: {  	s4 =	sld [smem:$0x3FFB];
	_ =	sdelay $0x3  }
0x93: {  	_ =	strace s4  }
0x94: {  	s4 =	sld [smem:$0x3FFC];
	_ =	sdelay $0x3  }
0x95: {  	_ =	strace s4  }
0x96: {  	s4 =	sld [smem:$0x3FFD];
	_ =	sdelay $0x3  }
0x97: {  	_ =	strace s4  }
0x98: {  	_ =	strace $0x8FFFFFFF  }
0x99: {  	s19 =	sld [smem:$0x3FDB];
	_ =	sdelay $0x1  }
0x9a: {  	s5 =	simm.s32 $_scs_section_size  }
0x9b: {  	s6 =	simm.s32 $_size__tile_overlayer_lowered;
	s7 =	simm.s32 $_tile_overlayer_lowered  }
0x9c: {  	s22 =	simm.s32 $0x1BFF;
	s21 =	sshll.u32 s7, $0x1;
	s4 =	sadd.s32 s5, s19  }
0x9d: {  	s8 =	simm.s32 $0x0;
	s20 =	sshll.u32 s6, $0x1;
	s6 =	sadd.s32 s21, s4  }
0x9e: {  	[timem:s8], [sflag:s22] =	dma.local [hbm:s6], s20  }
0x9f: {  	_ =	swait.ge [sflag:s22], s20  }
0xa0: {  	s5 =	ssub.s32 $0x0, s20;
	[sflag:s22] =	ssyncset.done $0x0  }
0xa1: {  	[sflag:s22] =	ssyncadd.s32 s5;
	_ =	sdelay $0x1  }
0xa2: {  	s23 =	simm.s32 $0x1B8B  }
0xa3: {  	_ =	swait.ge [sflag:s23], $0x1  }
0xa4: {  	[sflag:s23] =	ssyncset.done $0x0  }
0xa5: {  	s25 =	simm.s32 $0x1B8E;
	s24 =	sld [smem:$0x3FFE];
	[sflag:s23] =	ssyncadd.s32 $0xFFFFFFFF  }
0xa6: {  	s26 =	simm.s32 $execute0_lowered;
	[smem:$0x3FD2] =	sst s25  }
0xa7: {  	s6 =	sshll.u32 s26, $0x1;
	_ =	strace $0x80000046;
	[dreg:$0x1] =	wrdreg $0xFFFFFFFF  }
0xa8: {  	s28 =	simm.s32 $_size_execute0_lowered;
	s4 =	sadd.s32 s4, s6;
	[dreg:$0x0] =	wrdreg $0x0  }
0xa9: {  	s6 =	sshll.u32 s28, $0x1;
	[dreg:$0x2] =	wrdreg s4  }
0xaa: {  	[dreg:$0x3] =	wrdreg s6  }
0xab: {  	[dreg:$0x4] =	wrdreg $0xC0  }
0xac: {  	_ =	task [dreg:s8], $0x5FFFF  }
0xad: {  	[dreg:$0x1] =	wrdreg $0xFFFFFFFF  }
0xae: {  	[dreg:$0x0] =	wrdreg $0x60  }
0xaf: {  	[dreg:$0x2] =	wrdreg s24  }
0xb0: {  	[dreg:$0x3] =	wrdreg s2  }
0xb1: {  	[dreg:$0x4] =	wrdreg s18  }
0xb2: {  	[dreg:$0x5] =	wrdreg $0x9  }
0xb3: {  	_ =	task.clear_ibuf [dreg:s8], $0x6FFFF;
	_ =	strace $0x90000046  }
0xb4: {  	s29 =	simm.s32 $0x9;
	_ =	strace $0x80000048  }
0xb5: {  	_ =	swait.ge [sflag:s29], $0x1  }
0xb6: {  	[sflag:s29] =	ssyncadd.s32 $0xFFFFFFFF  }
0xb7: {  	_ =	strace $0x90000048  }
0xb8: {  	_ =	sfence  }
0xb9: {  	s30 =	sld [smem:$0x0];
	_ =	sdelay $0x2  }
0xba: {  	s31 =	sshll.u32 s1, $0xD;
	s1 =	sshrl.u32 s1, $0x2  }
0xbb: {  	s3 =	sand.u32 $0x4000, s31;
	s1 =	sadd.s32 s1, s30  }
0xbc: {  	s0 =	sor.u32 s3, s0;
	s1 =	sshll.u32 s1, $0x11  }
0xbd: {  	s0 =	sor.u32 s1, s0  }
0xbe: {  	s0 =	sadd.s32 $0x8F2B, s0  }
0xbf: {  	[sflag:s0] =	ssyncadd.remote.s32 $0x1  }
0xc0: {  	_ =	sfence.sel $0xFFFF  }
0xc1: {  	[dreg:$0x0] =	wrdreg $0xFFFFFFFF;
	(pc) =	sbr.abs _section_cstart, $3  }
0xc2: {  	[dreg:$0x1] =	wrdreg $0xFFFFFFFF  }
0xc3: {  	_ =	task.clear_ibuf [dreg:s8], $0x2FFFF;
	_ =	strace $0x9FFFFFFF  }
0xc4: {  	(tm) =	ssettm $0x7FFFFFFF  }
0xc5: {  	_ =	shalt  }
tec
execute0_lowered:
.L_overlay_start_1:
0x0: {  	(tag) =	ssettag $0x1  }
0x1: {  	s4 =	rddreg [dreg:$0x0]  }
0x2: {  	s2 =	rddreg [dreg:$0x1];
	s0 =	srdreg.scid  }
0x3: {  	s5 =	rddreg [dreg:$0x2];
	s1 =	stileid.u32;
	s3 =	simm.s32 $0x0  }
0x4: {  	s9 =	simm.s32 $0x1;
	s6 =	sand.u32 $0x1, s0;
	s0 =	rddreg [dreg:$0x3]  }
0x5: {  	s10 =	simm.s32 $0x0;
	s7 =	sshll.u32 s1, $0x7;
	[smem:$0x7FF] =	sst s3  }
0x6: {  	s8 =	sshll.u32 s6, $0x6;
	s6 =	ssub.s32 $0x2, s6;
	_ =	strace $0x80000047  }
0x7: {  	s7 =	sor.u32 s8, s7;
	s31 =	sshrl.u32 s6, $0x1;
	s8 =	simm.s32 $0x200  }
0x8: {  	s4 =	sadd.s32 s7, s4;
	s6 =	ssub.s32 s6, s31;
	s5 =	sadd.s32 s5, s7  }
0x9: {  	s7 =	simm.s32 $0x2;
	s4 =	sadd.s32 $0x800, s4;
	s6 =	smax.u32 s6, $0x1  }
.LBB2_1:
0xa: {  	[tilespmem:s3], [sflag:$0x2] =	stream.linear.gather [hbm4b:s4+s3], $0x200, $0x38;
	[tilespmem:$0x400] =	vst v63  }
0xb: {  	_ =	swait.ge [sflag:s7], $0x200  }
0xc: {  	[sflag:s7] =	ssyncset.done $0x0  }
0xd: {  	[sflag:s7] =	ssyncadd.s32 $0xFFFFFE00  }
0xe: {  	[tilespmem:s8], [sflag:$0x1] =	stream.indirect.gather [hbm4b:s2+s8], $0x1, s3, s8, $0xb8;
	[tilespmem:$0x400] =	vst v63  }
0xf: {  	_ =	swait.ge [sflag:s9], $0x200  }
0x10: {  	[sflag:s9] =	ssyncset.done $0x0  }
0x11: {  	s11 =	simm.s32 $0x220;
	[sflag:s9] =	ssyncadd.s32 $0xFFFFFE00  }
0x12: {  	v0 =	vld [tilespmem:s11+$0x0]  }
0x13: {  	v1 =	vld [tilespmem:s11+$0xFFFFFFF0]  }
0x14: {  	v2 =	vld [tilespmem:s11+$0x10]  }
0x15: {  	v3 =	vld [tilespmem:s11+$0xFFFFFFE0];
	_ =	sdelay $0x1  }
0x16: {  	v4 =	vand.u32 $0x7FFFFF, v0  }
0x17: {  	v5 =	vand.u32 $0x7FFFFF, v1;
	v4 =	vor.u32 $0x3F800000, v4  }
0x18: {  	v6 =	vand.u32 $0x7FFFFF, v2;
	v5 =	vor.u32 $0x3F800000, v5;
	v4 =	vadd.f32 $-1.000000000e+00, v4  }
0x19: {  	v7 =	vand.u32 $0x7FFFFF, v3;
	v6 =	vor.u32 $0x3F800000, v6;
	v5 =	vadd.f32 $-1.000000000e+00, v5  }
0x1a: {  	v7 =	vor.u32 $0x3F800000, v7;
	v6 =	vadd.f32 $-1.000000000e+00, v6;
	v8 =	vmul.f32 $1.011908330e-02, v4  }
0x1b: {  	v7 =	vadd.f32 $-1.000000000e+00, v7;
	v9 =	vmul.f32 $1.011908330e-02, v5  }
0x1c: {  	v10 =	vmul.f32 $1.011908330e-02, v6;
	v8 =	vadd.f32 $-5.262485150e-02, v8  }
0x1d: {  	v11 =	vmul.f32 $1.011908330e-02, v7;
	v9 =	vadd.f32 $-5.262485150e-02, v9  }
0x1e: {  	v10 =	vadd.f32 $-5.262485150e-02, v10;
	v8 =	vmul.f32 v8, v4  }
0x1f: {  	v11 =	vadd.f32 $-5.262485150e-02, v11;
	v9 =	vmul.f32 v9, v5  }
0x20: {  	v10 =	vmul.f32 v10, v6;
	v8 =	vadd.f32 $1.307650360e-01, v8  }
0x21: {  	v11 =	vmul.f32 v11, v7;
	v9 =	vadd.f32 $1.307650360e-01, v9  }
0x22: {  	v10 =	vadd.f32 $1.307650360e-01, v10;
	v8 =	vmul.f32 v8, v4  }
0x23: {  	v11 =	vadd.f32 $1.307650360e-01, v11;
	v9 =	vmul.f32 v9, v5  }
0x24: {  	v10 =	vmul.f32 v10, v6;
	v8 =	vadd.f32 $-2.228362560e-01, v8  }
0x25: {  	v11 =	vmul.f32 v11, v7;
	v9 =	vadd.f32 $-2.228362560e-01, v9  }
0x26: {  	v10 =	vadd.f32 $-2.228362560e-01, v10;
	v8 =	vmul.f32 v8, v4  }
0x27: {  	v11 =	vadd.f32 $-2.228362560e-01, v11;
	v9 =	vmul.f32 v9, v5  }
0x28: {  	v0 =	vshra.s32 v0, $0x17;
	v10 =	vmul.f32 v10, v6;
	v8 =	vadd.f32 $3.269731100e-01, v8  }
0x29: {  	v1 =	vshra.s32 v1, $0x17;
	v11 =	vmul.f32 v11, v7;
	v9 =	vadd.f32 $3.269731100e-01, v9  }
0x2a: {  	v3 =	vshra.s32 v3, $0x17;
	v10 =	vadd.f32 $3.269731100e-01, v10;
	v8 =	vmul.f32 v8, v4  }
0x2b: {  	v2 =	vshra.s32 v2, $0x17;
	v11 =	vadd.f32 $3.269731100e-01, v11;
	v9 =	vmul.f32 v9, v5  }
0x2c: {  	v3 =	vadd.s32 $0xFFFFFF81, v3;
	v10 =	vmul.f32 v10, v6;
	v8 =	vadd.f32 $-4.992065730e-01, v8  }
0x2d: {  	v0 =	vadd.s32 $0xFFFFFF81, v0;
	v11 =	vmul.f32 v11, v7;
	v9 =	vadd.f32 $-4.992065730e-01, v9  }
0x2e: {  	v1 =	vadd.s32 $0xFFFFFF81, v1;
	v10 =	vadd.f32 $-4.992065730e-01, v10;
	v8 =	vmul.f32 v8, v4  }
0x2f: {  	v2 =	vadd.s32 $0xFFFFFF81, v2;
	v11 =	vadd.f32 $-4.992065730e-01, v11;
	v9 =	vmul.f32 v9, v5  }
0x30: {  	v3 =	vcvt.s32.f32 v3;
	v10 =	vmul.f32 v10, v6;
	v8 =	vadd.f32 $9.999575010e-01, v8  }
0x31: {  	v0 =	vcvt.s32.f32 v0;
	v11 =	vmul.f32 v11, v7;
	v9 =	vadd.f32 $9.999575010e-01, v9  }
0x32: {  	v2 =	vcvt.s32.f32 v2;
	v60 =	vadd.f32 $9.999575010e-01, v10;
	v4 =	vmul.f32 v8, v4  }
0x33: {  	v1 =	vcvt.s32.f32 v1;
	v61 =	vadd.f32 $9.999575010e-01, v11;
	v5 =	vmul.f32 v9, v5  }
0x34: {  	v0 =	vmul.f32 $6.931471820e-01, v0;
	v6 =	vmul.f32 v60, v6;
	v4 =	vadd.f32 $5.621959080e-07, v4  }
0x35: {  	v62 =	vmul.f32 $6.931471820e-01, v1;
	v1 =	vmul.f32 v61, v7;
	v5 =	vadd.f32 $5.621959080e-07, v5  }
0x36: {  	v63 =	vmul.f32 $6.931471820e-01, v2;
	v6 =	vadd.f32 $5.621959080e-07, v6;
	v4 =	vadd.f32 v4, v0  }
0x37: {  	v1 =	vadd.f32 $5.621959080e-07, v1;
	v0 =	vmul.f32 $6.931471820e-01, v3;
	v2 =	vadd.f32 v5, v62  }
0x38: {  	s12 =	simm.s32 $0x0;
	s13 =	simm.s32 $0x260;
	v3 =	vadd.f32 v6, v63;
	[tilespmem:s11+$0x0] =	vst v4  }
.LBB2_2:
0x39: {  	v4 =	vld [tilespmem:s13+$0x0];
	s12 =	sadd.s32 $0x4, s12;
	v0 =	vadd.f32 v1, v0;
	[tilespmem:s11+$0xFFFFFFF0] =	vst v2  }
0x3a: {  	v1 =	vld [tilespmem:s13+$0xFFFFFFF0];
	p0 =	slt.u32 s12, $0x1C;
	[tilespmem:s11+$0x10] =	vst v3  }
0x3b: {  	v2 =	vld [tilespmem:s13+$0x10];
	[tilespmem:s11+$0xFFFFFFE0] =	vst v0;
	s11 =	smov.u32 s13  }
0x3c: {  	v0 =	vld [tilespmem:s13+$0xFFFFFFE0];
	_ =	sdelay $0x1  }
0x3d: {  	v3 =	vshra.s32 v4, $0x17;
	v4 =	vand.u32 $0x7FFFFF, v4  }
0x3e: {  	v5 =	vshra.s32 v1, $0x17;
	v1 =	vand.u32 $0x7FFFFF, v1;
	v4 =	vor.u32 $0x3F800000, v4  }
0x3f: {  	v1 =	vor.u32 $0x3F800000, v1;
	v4 =	vadd.f32 $-1.000000000e+00, v4;
	v6 =	vand.u32 $0x7FFFFF, v2  }
0x40: {  	v7 =	vand.u32 $0x7FFFFF, v0;
	v1 =	vadd.f32 $-1.000000000e+00, v1;
	v6 =	vor.u32 $0x3F800000, v6  }
0x41: {  	v7 =	vor.u32 $0x3F800000, v7;
	v8 =	vmul.f32 $1.011908330e-02, v4;
	v6 =	vadd.f32 $-1.000000000e+00, v6  }
0x42: {  	v0 =	vshra.s32 v0, $0x17;
	v7 =	vadd.f32 $-1.000000000e+00, v7;
	v9 =	vmul.f32 $1.011908330e-02, v1  }
0x43: {  	v0 =	vadd.s32 $0xFFFFFF81, v0;
	v8 =	vadd.f32 $-5.262485150e-02, v8;
	v10 =	vmul.f32 $1.011908330e-02, v6  }
0x44: {  	v0 =	vcvt.s32.f32 v0;
	v11 =	vmul.f32 $1.011908330e-02, v7;
	v9 =	vadd.f32 $-5.262485150e-02, v9  }
0x45: {  	v3 =	vadd.s32 $0xFFFFFF81, v3;
	v8 =	vmul.f32 v8, v4;
	v10 =	vadd.f32 $-5.262485150e-02, v10  }
0x46: {  	v3 =	vcvt.s32.f32 v3;
	v11 =	vadd.f32 $-5.262485150e-02, v11;
	v9 =	vmul.f32 v9, v1  }
0x47: {  	v5 =	vadd.s32 $0xFFFFFF81, v5;
	v8 =	vadd.f32 $1.307650360e-01, v8;
	v10 =	vmul.f32 v10, v6  }
0x48: {  	v2 =	vshra.s32 v2, $0x17;
	v11 =	vmul.f32 v11, v7;
	v9 =	vadd.f32 $1.307650360e-01, v9  }
0x49: {  	v2 =	vadd.s32 $0xFFFFFF81, v2;
	v8 =	vmul.f32 v8, v4;
	v10 =	vadd.f32 $1.307650360e-01, v10  }
0x4a: {  	v2 =	vcvt.s32.f32 v2;
	v11 =	vadd.f32 $1.307650360e-01, v11;
	v9 =	vmul.f32 v9, v1  }
0x4b: {  	v8 =	vadd.f32 $-2.228362560e-01, v8;
	v10 =	vmul.f32 v10, v6  }
0x4c: {  	v11 =	vmul.f32 v11, v7;
	v9 =	vadd.f32 $-2.228362560e-01, v9  }
0x4d: {  	v8 =	vmul.f32 v8, v4;
	v10 =	vadd.f32 $-2.228362560e-01, v10  }
0x4e: {  	v11 =	vadd.f32 $-2.228362560e-01, v11;
	v9 =	vmul.f32 v9, v1  }
0x4f: {  	v8 =	vadd.f32 $3.269731100e-01, v8;
	v10 =	vmul.f32 v10, v6  }
0x50: {  	v11 =	vmul.f32 v11, v7;
	v9 =	vadd.f32 $3.269731100e-01, v9  }
0x51: {  	v8 =	vmul.f32 v8, v4;
	v10 =	vadd.f32 $3.269731100e-01, v10  }
0x52: {  	v11 =	vadd.f32 $3.269731100e-01, v11;
	v9 =	vmul.f32 v9, v1  }
0x53: {  	v8 =	vadd.f32 $-4.992065730e-01, v8;
	v10 =	vmul.f32 v10, v6  }
0x54: {  	v11 =	vmul.f32 v11, v7;
	v9 =	vadd.f32 $-4.992065730e-01, v9  }
0x55: {  	v8 =	vmul.f32 v8, v4;
	v10 =	vadd.f32 $-4.992065730e-01, v10  }
0x56: {  	v11 =	vadd.f32 $-4.992065730e-01, v11;
	v9 =	vmul.f32 v9, v1  }
0x57: {  	v8 =	vadd.f32 $9.999575010e-01, v8;
	v10 =	vmul.f32 v10, v6  }
0x58: {  	v5 =	vcvt.s32.f32 v5;
	v11 =	vmul.f32 v11, v7;
	v9 =	vadd.f32 $9.999575010e-01, v9  }
0x59: {  	v4 =	vmul.f32 v8, v4;
	v8 =	vadd.f32 $9.999575010e-01, v10  }
0x5a: {  	v5 =	vmul.f32 $6.931471820e-01, v5;
	v10 =	vadd.f32 $9.999575010e-01, v11;
	v1 =	vmul.f32 v9, v1  }
.Ltmp0:
0x5b: {  	v3 =	vmul.f32 $6.931471820e-01, v3;
	v4 =	vadd.f32 $5.621959080e-07, v4;
	v6 =	vmul.f32 v8, v6;
	(pc) =	sbr.rel @p0 .LBB2_2-.Ltmp0, $4  }
0x5c: {  	v0 =	vmul.f32 $6.931471820e-01, v0;
	v7 =	vmul.f32 v10, v7;
	v8 =	vadd.f32 $5.621959080e-07, v1  }
0x5d: {  	v3 =	vadd.f32 v4, v3;
	v4 =	vadd.f32 $5.621959080e-07, v6;
	v6 =	vmul.f32 $6.931471820e-01, v2  }
0x5e: {  	v1 =	vadd.f32 $5.621959080e-07, v7;
	v2 =	vadd.f32 v8, v5  }
0x5f: {  	s13 =	sadd.s32 $0x40, s13;
	[tilespmem:s11+$0x0] =	vst v3;
	v3 =	vadd.f32 v4, v6  }
0x60: {  	v0 =	vadd.f32 v1, v0;
	[tilespmem:s11+$0xFFFFFFF0] =	vst v2;
	s10 =	sadd.s32 $0x1, s10  }
0x61: {  	[tilespmem:s11+$0x10] =	vst v3;
	p0 =	sne.s32 s10, s6  }
.Ltmp1:
0x62: {  	[tilespmem:s11+$0xFFFFFFE0] =	vst v0;
	(pc) =	sbr.rel @p0 .LBB2_1-.Ltmp1, $4  }
0x63: {  	[hbm4b:s5+s3] =	stream.linear.scatter [tilespmem:s8], [sflag:$0x2], $0x200, $0x38;
	[tilespmem:$0x400] =	vst v63  }
0x64: {  	_ =	swait.ge [sflag:s7], $0x200  }
0x65: {  	[sflag:s7] =	ssyncset.done $0x0  }
0x66: {  	[sflag:s7] =	ssyncadd.s32 $0xFFFFFE00  }
0x67: {  	_ =	sfence.sel $0x180000  }
0x68: {  	[bflag:$0x0] =	sbarrier.arrive $0xFFFF  }
0x69: {  	p0 =	sne.s32 s1, $0x0;
	_ =	strace $0x90000047  }
0x6a: {  	s0 =	sadd.s32 @!p0 $0x100000, s0;
	[bflag:$0x2] =	sbarrier.arrive $0xFFFF  }
0x6b: {  	[sflag:s0] =	ssyncadd.tile.s32 @!p0 $0x1;
	_ =	shalt  }
.Lfunc_end2:
_tile_overlayer_lowered:
.L_overlay_start_2:
0x6c: {  	(tag) =	ssettag $0x2  }
0x6d: {  	s0 =	rddreg [dreg:$0x0];
	s2 =	stileid.u32  }
0x6e: {  	s1 =	rddreg [dreg:$0x1];
	p0 =	sne.s32 s2, $0x0  }
0x6f: {  	s3 =	rddreg [dreg:$0x2];
	[bflag:$0x3] =	sbarrier.arrive $0xFFFF;
	s2 =	simm.s32 @!p0 $0x1C02  }
0x70: {  	[timem:s3], [sflag:s2] =	dma.local @!p0 [hbm:s0], s1  }
0x71: {  	s0 =	simm.s32 @!p0 $0x2  }
0x72: {  	_ =	swait.ge @!p0 [sflag:s0], s1  }
0x73: {  	s1 =	ssub.s32 @!p0 $0x0, s1;
	[sflag:s0] =	ssyncset.done @!p0 $0x0  }
0x74: {  	[sflag:s0] =	ssyncadd.s32 @!p0 s1  }
0x75: {  	[bflag:$0x3] =	sbarrier.arrive $0xFFFF  }
0x76: {  	_ =	shalt  }

</sc_bundles>
